<compile_context>
chip_gen: v7x
topology: tpu7x:2x2x1
jax: 0.10.2.dev20260603
libtpu: 0.0.44.dev20260713+nightly
codegen_flags: <defaults>
</compile_context>

<pallas_src>
import functools

import jax
import jax.numpy as jnp
from jax import lax
from jax.experimental import pallas as pl
from jax.experimental.pallas import tpu as pltpu
from jax.experimental.pallas import tpu_sc as plsc

_B = 8
_N = 2048
_U = 512
_LANES = 16
_COLS = 128


@functools.cache
def _make_sc_coeffs():
    mesh = plsc.VectorSubcoreMesh(core_axis_name="c", subcore_axis_name="s",
                                  num_cores=1)
    half_n = _N // 2

    def _sum_lanes(v):
        s = v[0]
        for i in range(1, _LANES):
            s = s + v[i]
        return s

    @functools.partial(
        pl.kernel,
        out_type=jax.ShapeDtypeStruct((_LANES, 2 * _LANES), jnp.float32),
        mesh=mesh,
        scratch_types=[
            pltpu.VMEM((_LANES,), jnp.int32),
            pltpu.VMEM((_N,), jnp.int32),
            pltpu.VMEM((_N,), jnp.int32),
            pltpu.VMEM((_N,), jnp.int32),
            pltpu.VMEM((_LANES,), jnp.float32),
            pltpu.VMEM((_LANES,), jnp.float32),
            pltpu.SemaphoreType.DMA,
            pltpu.SemaphoreType.DMA,
        ],
    )
    def sc_coeffs(t_hbm, rm_hbm, nb_hbm, mp_hbm, out_hbm,
                  t_v, rm_v, nb_v, mp_v, sa, sb, sem0, sem1):
        wid = lax.axis_index("s")
        b = wid & (_B - 1)
        off = (wid >> 3) * half_n

        pltpu.sync_copy(t_hbm, t_v.at[pl.ds(0, 1)])
        rm_cp = pltpu.async_copy(rm_hbm.at[b], rm_v, sem0)
        mp_cp = pltpu.async_copy(mp_hbm.at[b], mp_v, sem1)
        t_s = t_v[...][0]
        rm_cp.wait()
        base = t_s & ~(_LANES - 1)
        blk = rm_v[pl.ds(base, _LANES)]
        lane = lax.iota(jnp.int32, _LANES)
        p_s = _sum_lanes(jnp.where(lane == (t_s & (_LANES - 1)), blk, 0))
        pltpu.async_copy(nb_hbm.at[b, p_s], nb_v, sem0).wait()
        mp_cp.wait()

        def body(j, carry):
            an, aw = carry
            ng = nb_v[pl.ds(j * _LANES, _LANES)].astype(jnp.float32)
            cnd = jnp.where(mp_v[pl.ds(j * _LANES, _LANES)] < t_s, 1.0, 0.0)
            return an + ng, aw + ng * cnd

        lo = off // _LANES
        zero = jnp.zeros((_LANES,), jnp.float32)
        an, aw = lax.fori_loop(lo, lo + half_n // _LANES, body, (zero, zero))
        sa[...] = an
        sb[...] = aw
        pltpu.sync_copy(sa, out_hbm.at[wid, pl.ds(0, _LANES)])
        pltpu.sync_copy(sb, out_hbm.at[wid, pl.ds(_LANES, _LANES)])

    return sc_coeffs


def _hard_sigmoid(x):
    return jnp.clip(0.2 * x + 0.5, 0.0, 1.0)


_PREB = 512



def _pre_body(x, h, h2, w, u, un, b, pre_out, r_out):
    dot = functools.partial(jnp.dot, preferred_element_type=jnp.float32)
    xx = x[...]
    hh = h[...]
    pre_out[...] = dot(xx, w[...]) + dot(hh, u[...]) + b[...]
    s1 = jnp.sum(hh, axis=0, keepdims=True)
    s2 = jnp.sum(h2[...], axis=0, keepdims=True)
    s12 = jnp.concatenate([s1, s2], axis=0)
    r_out[...] = dot(s12, un[...])


def _tc_preacts(inputs, h_tm1, h_tm2, W, U, Un, bias2d):
    nblk = 4 * _U // _PREB
    return pl.pallas_call(
        _pre_body,
        grid=(nblk,),
        in_specs=[
            pl.BlockSpec((_B, _U), lambda j: (0, 0)),
            pl.BlockSpec((_B, _U), lambda j: (0, 0)),
            pl.BlockSpec((_B, _U), lambda j: (0, 0)),
            pl.BlockSpec((_U, _PREB), lambda j: (0, j)),
            pl.BlockSpec((_U, _PREB), lambda j: (0, j)),
            pl.BlockSpec((_U, _PREB),
                         lambda j: (0, jnp.where((j >= _U // _PREB) & (j < 2 * _U // _PREB),
                                                 _U // _PREB - 1, j))),
            pl.BlockSpec((1, _PREB), lambda j: (0, j)),
        ],
        out_specs=[
            pl.BlockSpec((_B, _PREB), lambda j: (0, j)),
            pl.BlockSpec((2, _PREB), lambda j: (0, j)),
        ],
        out_shape=[
            jax.ShapeDtypeStruct((_B, 4 * _U), jnp.float32),
            jax.ShapeDtypeStruct((2, 4 * _U), jnp.float32),
        ],
        compiler_params=pltpu.CompilerParams(
            dimension_semantics=("arbitrary",),
        ),
    )(inputs, h_tm1, h_tm2, W, U, Un, bias2d)


def _cell_body(cf, pre, r, c1, h_out, c_out):
    cfv = cf[...]
    both = cfv[0:_B, :] + cfv[_B:2 * _B, :]
    nn = jnp.sum(both[:, 0:_LANES], axis=1, keepdims=True)
    w1 = jnp.sum(both[:, _LANES:2 * _LANES], axis=1, keepdims=True)
    inv = jnp.where(nn != 0.0, 1.0 / jnp.where(nn == 0.0, 1.0, nn), 0.0)
    a1 = w1 * inv
    a2 = (nn - w1) * inv
    pv = pre[...]
    rv = r[...]

    def ng(g):
        return (a1 * rv[0:1, g * _U:(g + 1) * _U]
                + a2 * rv[1:2, g * _U:(g + 1) * _U])

    gi = _hard_sigmoid(pv[:, 0:_U] + ng(0))
    gf = _hard_sigmoid(pv[:, _U:2 * _U])
    cc = jnp.tanh(pv[:, 2 * _U:3 * _U] + ng(2))
    go = _hard_sigmoid(pv[:, 3 * _U:4 * _U] + ng(3))
    ct = gf * c1[...] + gi * cc
    h_out[...] = go * jnp.tanh(ct)
    c_out[...] = ct


def _tc_cell(coeffs, preacts, rvecs, c_tm1):
    return pl.pallas_call(
        _cell_body,
        in_specs=[
            pl.BlockSpec((_LANES, 2 * _LANES), lambda: (0, 0)),
            pl.BlockSpec((_B, 4 * _U), lambda: (0, 0)),
            pl.BlockSpec((2, 4 * _U), lambda: (0, 0)),
            pl.BlockSpec((_B, _U), lambda: (0, 0)),
        ],
        out_specs=[
            pl.BlockSpec((_B, _U), lambda: (0, 0)),
            pl.BlockSpec((_B, _U), lambda: (0, 0)),
        ],
        out_shape=[
            jax.ShapeDtypeStruct((_B, _U), jnp.float32),
            jax.ShapeDtypeStruct((_B, _U), jnp.float32),
        ],
    )(coeffs, preacts, rvecs, c_tm1)


def kernel(inputs, h_tm1, c_tm1, h_tm2, c_tm2, old_vertices, neighbors,
           mapping, reverse_mapping, time, W, U, Un, bias):
    t1 = jnp.asarray(time, jnp.int32).reshape(1)
    coeffs = _make_sc_coeffs()(t1, reverse_mapping, neighbors, mapping)
    bias2d = bias.reshape(1, 4 * _U)
    preacts, rvecs = _tc_preacts(inputs, h_tm1, h_tm2, W, U, Un, bias2d)
    h, ct = _tc_cell(coeffs, preacts, rvecs, c_tm1)
    return h, ct

# --- scband reference (transcript-rebuilt; emitter-appended) ---
"""Pipeline reference for scband-graph-lstmcell-33921651704146 (READ-ONLY COPY).

The authoritative reference and input builder live on the scoring server;
editing this copy changes nothing except your own understanding.
"""

import jax, jax.numpy as jnp
import numpy as np


def hard_sigmoid(x):
    return jnp.clip(0.2 * x + 0.5, 0.0, 1.0)


def setup_inputs(seed: int = 0) -> dict:
    key = jax.random.key(seed)
    ks = jax.random.split(key, 12)
    B, N, D, U_ = 8, 2048, 512, 512
    inputs = jax.random.normal(ks[0], (B, D), dtype=jnp.float32)
    h_tm1 = jax.random.normal(ks[1], (B, U_), dtype=jnp.float32)
    c_tm1 = jax.random.normal(ks[2], (B, U_), dtype=jnp.float32)
    h_tm2 = jax.random.normal(ks[3], (B, U_), dtype=jnp.float32)
    c_tm2 = jax.random.normal(ks[4], (B, U_), dtype=jnp.float32)
    old_vertices = jax.random.normal(ks[5], (B, U_), dtype=jnp.float32)
    neighbors = jax.random.randint(ks[6], (B, N, N), 0, 2, dtype=jnp.int32)
    mapping = jax.random.randint(ks[7], (B, N), 0, N, dtype=jnp.int32)
    reverse_mapping = jax.random.randint(ks[8], (B, N), 0, N, dtype=jnp.int32)
    time = 1024
    W = jax.random.normal(ks[9], (D, 4 * U_), dtype=jnp.float32) * 0.02
    U = jax.random.normal(ks[10], (U_, 4 * U_), dtype=jnp.float32) * 0.02
    Un = jax.random.normal(ks[11], (U_, 4 * U_), dtype=jnp.float32) * 0.02
    bias = jnp.concatenate([jnp.zeros((U_,), jnp.float32), jnp.ones((U_,), jnp.float32), jnp.zeros((2 * U_,), jnp.float32)])
    return {"inputs": inputs, "h_tm1": h_tm1, "c_tm1": c_tm1, "h_tm2": h_tm2, "c_tm2": c_tm2,
            "old_vertices": old_vertices, "neighbors": neighbors, "mapping": mapping,
            "reverse_mapping": reverse_mapping, "time": time, "W": W, "U": U, "Un": Un, "bias": bias}


def reference(inputs, h_tm1, c_tm1, h_tm2, c_tm2, old_vertices, neighbors, mapping, reverse_mapping, time, W, U, Un, bias):
    u = h_tm1.shape[-1]
    B = inputs.shape[0]
    # previous_position = reverse_mapping[:, time]; gather each sample's neighbor row
    prev_pos = reverse_mapping[:, time]  # [B]
    ng_rows = jnp.take_along_axis(neighbors, prev_pos[:, None, None].astype(jnp.int32), axis=1)[:, 0, :].astype(jnp.float32)  # [B, N]
    mask = (ng_rows == 1.0).astype(jnp.float32)
    ng_num = jnp.sum(ng_rows, axis=-1)  # [B]
    # for each selected neighbor j: use h_tm1 if mapping[b, j] < time else h_tm2; each contributes sum over its [B, u]
    cond = (mapping < time).astype(jnp.float32)  # [B, N]
    s1 = jnp.sum(h_tm1, axis=0)  # [u]
    s2 = jnp.sum(h_tm2, axis=0)  # [u]
    w1 = jnp.sum(mask * cond, axis=-1)  # [B]
    w2 = jnp.sum(mask * (1.0 - cond), axis=-1)  # [B]
    num = w1[:, None] * s1[None, :] + w2[:, None] * s2[None, :]  # [B, u]
    denom = ng_num[:, None]
    ngs = jnp.where(denom != 0.0, num / jnp.where(denom == 0.0, 1.0, denom), 0.0)  # div_no_nan
    # gate projections (implementation == 1, no dropout)
    W_i, W_f, W_c, W_o = W[:, :u], W[:, u:2 * u], W[:, 2 * u:3 * u], W[:, 3 * u:]
    U_i, U_f, U_c, U_o = U[:, :u], U[:, u:2 * u], U[:, 2 * u:3 * u], U[:, 3 * u:]
    Un_i, Un_f, Un_c, Un_o = Un[:, :u], Un[:, u:2 * u], Un[:, 2 * u:3 * u], Un[:, 3 * u:]
    b_i, b_f, b_c, b_o = bias[:u], bias[u:2 * u], bias[2 * u:3 * u], bias[3 * u:]
    x_i = inputs @ W_i + b_i
    x_f = inputs @ W_f + b_f
    x_f_avg = inputs @ W_f + b_f
    x_c = inputs @ W_c + b_c
    x_o = inputs @ W_o + b_o
    i = hard_sigmoid(x_i + h_tm1 @ U_i + ngs @ Un_i)
    f_avg = hard_sigmoid(x_f_avg + h_tm1 @ Un_f)
    f = hard_sigmoid(x_f + h_tm1 @ U_f)
    o = hard_sigmoid(x_o + h_tm1 @ U_o + ngs @ Un_o)
    c_cand = jnp.tanh(x_c + h_tm1 @ U_c + ngs @ Un_c)
    c_t = f * c_tm1 + i * c_cand
    h = o * jnp.tanh(c_t)
    return h, c_t

if __name__ == "__main__":
    import jax
    _d = setup_inputs()
    print(jax.jit(kernel)(*tuple(_d.values())))

</pallas_src>

<mosaic_0001>
#map = affine_map<(d0, d1) -> (0)>
#map1 = affine_map<(d0, d1) -> (0, 0)>
#map2 = affine_map<(d0, d1) -> (0, 0, 0)>
module attributes {stable_mosaic.version = 14 : i64} {
  func.func @sc_coeffs(%arg0: i32, %arg1: i32, %arg2: memref<1xi32, #tpu.memory_space<hbm>>, %arg3: memref<8x2048xi32, #tpu.memory_space<hbm>>, %arg4: memref<8x2048x2048xi32, #tpu.memory_space<hbm>>, %arg5: memref<8x2048xi32, #tpu.memory_space<hbm>>, %arg6: memref<16x32xf32, #tpu.memory_space<hbm>>, %arg7: memref<16xi32, #tpu.memory_space<vmem>>, %arg8: memref<2048xi32, #tpu.memory_space<vmem>>, %arg9: memref<2048xi32, #tpu.memory_space<vmem>>, %arg10: memref<2048xi32, #tpu.memory_space<vmem>>, %arg11: memref<16xf32, #tpu.memory_space<vmem>>, %arg12: memref<16xf32, #tpu.memory_space<vmem>>, %arg13: memref<!tpu.dma_semaphore, #tpu.memory_space<semaphore_mem>>, %arg14: memref<!tpu.dma_semaphore, #tpu.memory_space<semaphore_mem>>) attributes {dimension_semantics = [#tpu.dimension_semantics<core_parallel>, #tpu.dimension_semantics<subcore_parallel>], iteration_bounds = array<i64: 1, 16>, scalar_prefetch = 0 : i64, scratch_operands = 8 : i64, tpu.core_type = #tpu.core_type<sc_vector_subcore>, window_params = [{transform_indices = #map}, {transform_indices = #map1}, {transform_indices = #map2}, {transform_indices = #map1}, {transform_indices = #map1}]} {
    %and3A = arith.constant 7 : i32
    %and3A_0 = arith.andi %arg1, %and3A : i32
    %shift_right_arithmetic3A = arith.constant 3 : i32
    %shift_right_arithmetic3A_1 = arith.shrsi %arg1, %shift_right_arithmetic3A : i32
    %mul3A = arith.constant 1024 : i32
    %mul3A_2 = arith.muli %shift_right_arithmetic3A_1, %mul3A : i32
    "tpu.region"() ({
      %run_scoped3A = tpu.sem_alloc : memref<!tpu.dma_semaphore, #tpu.memory_space<semaphore_mem>>
      %dma_start3A_132 = arith.constant 0 : i32
      %dma_start3A_133 = tpu.memref_slice %arg7[%dma_start3A_132] : memref<16xi32, #tpu.memory_space<vmem>> -> memref<1xi32, #tpu.memory_space<vmem>>
      %dma_start3A_134 = arith.constant 0 : i32
      %dma_start3A_135 = tpu.memref_slice %arg7[%dma_start3A_134] : memref<16xi32, #tpu.memory_space<vmem>> -> memref<1xi32, #tpu.memory_space<vmem>>
      tpu.enqueue_dma source(%arg2 : memref<1xi32, #tpu.memory_space<hbm>>) target(%dma_start3A_135 : memref<1xi32, #tpu.memory_space<vmem>>) target_semaphore(%run_scoped3A : memref<!tpu.dma_semaphore, #tpu.memory_space<semaphore_mem>>)
      %dma_wait3A_136 = arith.constant 0 : i32
      %dma_wait3A_137 = tpu.memref_slice %arg7[%dma_wait3A_136] : memref<16xi32, #tpu.memory_space<vmem>> -> memref<1xi32, #tpu.memory_space<vmem>>
      %dma_wait3A_138 = arith.constant 0 : i32
      %dma_wait3A_139 = tpu.memref_slice %arg7[%dma_wait3A_138] : memref<16xi32, #tpu.memory_space<vmem>> -> memref<1xi32, #tpu.memory_space<vmem>>
      tpu.wait_dma2 semaphore(%run_scoped3A : memref<!tpu.dma_semaphore, #tpu.memory_space<semaphore_mem>>) src(%arg2 : memref<1xi32, #tpu.memory_space<hbm>>) dst(%dma_wait3A_139 : memref<1xi32, #tpu.memory_space<vmem>>)
      tpu.yield
    }) : () -> ()
    %dma_start3A = arith.constant 0 : i32
    %dma_start3A_3 = tpu.memref_slice %arg3[%and3A_0, %dma_start3A] : memref<8x2048xi32, #tpu.memory_space<hbm>> -> memref<1x2048xi32, #tpu.memory_space<hbm>>
    %dma_start3A_4 = tpu.memref_squeeze %dma_start3A_3 : memref<1x2048xi32, #tpu.memory_space<hbm>> -> memref<2048xi32, #tpu.memory_space<hbm>>
    %dma_start3A_5 = arith.constant 0 : i32
    %dma_start3A_6 = tpu.memref_slice %arg3[%and3A_0, %dma_start3A_5] : memref<8x2048xi32, #tpu.memory_space<hbm>> -> memref<1x2048xi32, #tpu.memory_space<hbm>>
    %dma_start3A_7 = tpu.memref_squeeze %dma_start3A_6 : memref<1x2048xi32, #tpu.memory_space<hbm>> -> memref<2048xi32, #tpu.memory_space<hbm>>
    tpu.enqueue_dma source(%dma_start3A_7 : memref<2048xi32, #tpu.memory_space<hbm>>) target(%arg8 : memref<2048xi32, #tpu.memory_space<vmem>>) target_semaphore(%arg13 : memref<!tpu.dma_semaphore, #tpu.memory_space<semaphore_mem>>)
    %dma_start3A_8 = arith.constant 0 : i32
    %dma_start3A_9 = tpu.memref_slice %arg5[%and3A_0, %dma_start3A_8] : memref<8x2048xi32, #tpu.memory_space<hbm>> -> memref<1x2048xi32, #tpu.memory_space<hbm>>
    %dma_start3A_10 = tpu.memref_squeeze %dma_start3A_9 : memref<1x2048xi32, #tpu.memory_space<hbm>> -> memref<2048xi32, #tpu.memory_space<hbm>>
    %dma_start3A_11 = arith.constant 0 : i32
    %dma_start3A_12 = tpu.memref_slice %arg5[%and3A_0, %dma_start3A_11] : memref<8x2048xi32, #tpu.memory_space<hbm>> -> memref<1x2048xi32, #tpu.memory_space<hbm>>
    %dma_start3A_13 = tpu.memref_squeeze %dma_start3A_12 : memref<1x2048xi32, #tpu.memory_space<hbm>> -> memref<2048xi32, #tpu.memory_space<hbm>>
    tpu.enqueue_dma source(%dma_start3A_13 : memref<2048xi32, #tpu.memory_space<hbm>>) target(%arg10 : memref<2048xi32, #tpu.memory_space<vmem>>) target_semaphore(%arg14 : memref<!tpu.dma_semaphore, #tpu.memory_space<semaphore_mem>>)
    %get3A = arith.constant 0 : index
    %get3A_14 = tpu.vector_load %arg7[%get3A] {strides = array<i32>} : memref<16xi32, #tpu.memory_space<vmem>>, vector<16xi32>,
    %get3A_15 = vector.shape_cast %get3A_14 : vector<16xi32> to vector<16xi32>
    %slice3A = vector.extract_strided_slice %get3A_15 {offsets = [0], sizes = [1], strides = [1]} : vector<16xi32> to vector<1xi32>
    %squeeze3A = vector.extract %slice3A[0] : i32 from vector<1xi32>
    %dma_wait3A = arith.constant 0 : i32
    %dma_wait3A_16 = tpu.memref_slice %arg3[%and3A_0, %dma_wait3A] : memref<8x2048xi32, #tpu.memory_space<hbm>> -> memref<1x2048xi32, #tpu.memory_space<hbm>>
    %dma_wait3A_17 = tpu.memref_squeeze %dma_wait3A_16 : memref<1x2048xi32, #tpu.memory_space<hbm>> -> memref<2048xi32, #tpu.memory_space<hbm>>
    %dma_wait3A_18 = arith.constant 0 : i32
    %dma_wait3A_19 = tpu.memref_slice %arg3[%and3A_0, %dma_wait3A_18] : memref<8x2048xi32, #tpu.memory_space<hbm>> -> memref<1x2048xi32, #tpu.memory_space<hbm>>
    %dma_wait3A_20 = tpu.memref_squeeze %dma_wait3A_19 : memref<1x2048xi32, #tpu.memory_space<hbm>> -> memref<2048xi32, #tpu.memory_space<hbm>>
    tpu.wait_dma2 semaphore(%arg13 : memref<!tpu.dma_semaphore, #tpu.memory_space<semaphore_mem>>) src(%dma_wait3A_20 : memref<2048xi32, #tpu.memory_space<hbm>>) dst(%arg8 : memref<2048xi32, #tpu.memory_space<vmem>>)
    %and3A_21 = arith.constant -16 : i32
    %and3A_22 = arith.andi %squeeze3A, %and3A_21 : i32
    %get3A_23 = arith.index_cast %and3A_22 : i32 to index
    %get3A_24 = tpu.vector_load %arg8[%get3A_23] {strides = array<i32>} : memref<2048xi32, #tpu.memory_space<vmem>>, vector<16xi32>,
    %get3A_25 = vector.shape_cast %get3A_24 : vector<16xi32> to vector<16xi32>
    %iota3A = tpu.iota {dimensions = array<i32: 0>} : vector<16xi32>
    %and3A_26 = arith.constant 15 : i32
    %and3A_27 = arith.andi %squeeze3A, %and3A_26 : i32
    %eq3A = vector.broadcast %and3A_27 : i32 to vector<16xi32>
    %eq3A_28 = arith.cmpi eq, %iota3A, %eq3A : vector<16xi32>
    %jit3A = arith.constant 0 : i32
    %broadcast_in_dim3A = vector.broadcast %jit3A : i32 to vector<16xi32>
    %select_n3A = arith.select %eq3A_28, %get3A_25, %broadcast_in_dim3A : vector<16xi1>, vector<16xi32>
    %slice3A_29 = vector.extract_strided_slice %select_n3A {offsets = [0], sizes = [1], strides = [1]} : vector<16xi32> to vector<1xi32>
    %squeeze3A_30 = vector.extract %slice3A_29[0] : i32 from vector<1xi32>
    %slice3A_31 = vector.extract_strided_slice %select_n3A {offsets = [1], sizes = [1], strides = [1]} : vector<16xi32> to vector<1xi32>
    %squeeze3A_32 = vector.extract %slice3A_31[0] : i32 from vector<1xi32>
    %add3A = arith.addi %squeeze3A_30, %squeeze3A_32 : i32
    %slice3A_33 = vector.extract_strided_slice %select_n3A {offsets = [2], sizes = [1], strides = [1]} : vector<16xi32> to vector<1xi32>
    %squeeze3A_34 = vector.extract %slice3A_33[0] : i32 from vector<1xi32>
    %add3A_35 = arith.addi %add3A, %squeeze3A_34 : i32
    %slice3A_36 = vector.extract_strided_slice %select_n3A {offsets = [3], sizes = [1], strides = [1]} : vector<16xi32> to vector<1xi32>
    %squeeze3A_37 = vector.extract %slice3A_36[0] : i32 from vector<1xi32>
    %add3A_38 = arith.addi %add3A_35, %squeeze3A_37 : i32
    %slice3A_39 = vector.extract_strided_slice %select_n3A {offsets = [4], sizes = [1], strides = [1]} : vector<16xi32> to vector<1xi32>
    %squeeze3A_40 = vector.extract %slice3A_39[0] : i32 from vector<1xi32>
    %add3A_41 = arith.addi %add3A_38, %squeeze3A_40 : i32
    %slice3A_42 = vector.extract_strided_slice %select_n3A {offsets = [5], sizes = [1], strides = [1]} : vector<16xi32> to vector<1xi32>
    %squeeze3A_43 = vector.extract %slice3A_42[0] : i32 from vector<1xi32>
    %add3A_44 = arith.addi %add3A_41, %squeeze3A_43 : i32
    %slice3A_45 = vector.extract_strided_slice %select_n3A {offsets = [6], sizes = [1], strides = [1]} : vector<16xi32> to vector<1xi32>
    %squeeze3A_46 = vector.extract %slice3A_45[0] : i32 from vector<1xi32>
    %add3A_47 = arith.addi %add3A_44, %squeeze3A_46 : i32
    %slice3A_48 = vector.extract_strided_slice %select_n3A {offsets = [7], sizes = [1], strides = [1]} : vector<16xi32> to vector<1xi32>
    %squeeze3A_49 = vector.extract %slice3A_48[0] : i32 from vector<1xi32>
    %add3A_50 = arith.addi %add3A_47, %squeeze3A_49 : i32
    %slice3A_51 = vector.extract_strided_slice %select_n3A {offsets = [8], sizes = [1], strides = [1]} : vector<16xi32> to vector<1xi32>
    %squeeze3A_52 = vector.extract %slice3A_51[0] : i32 from vector<1xi32>
    %add3A_53 = arith.addi %add3A_50, %squeeze3A_52 : i32
    %slice3A_54 = vector.extract_strided_slice %select_n3A {offsets = [9], sizes = [1], strides = [1]} : vector<16xi32> to vector<1xi32>
    %squeeze3A_55 = vector.extract %slice3A_54[0] : i32 from vector<1xi32>
    %add3A_56 = arith.addi %add3A_53, %squeeze3A_55 : i32
    %slice3A_57 = vector.extract_strided_slice %select_n3A {offsets = [10], sizes = [1], strides = [1]} : vector<16xi32> to vector<1xi32>
    %squeeze3A_58 = vector.extract %slice3A_57[0] : i32 from vector<1xi32>
    %add3A_59 = arith.addi %add3A_56, %squeeze3A_58 : i32
    %slice3A_60 = vector.extract_strided_slice %select_n3A {offsets = [11], sizes = [1], strides = [1]} : vector<16xi32> to vector<1xi32>
    %squeeze3A_61 = vector.extract %slice3A_60[0] : i32 from vector<1xi32>
    %add3A_62 = arith.addi %add3A_59, %squeeze3A_61 : i32
    %slice3A_63 = vector.extract_strided_slice %select_n3A {offsets = [12], sizes = [1], strides = [1]} : vector<16xi32> to vector<1xi32>
    %squeeze3A_64 = vector.extract %slice3A_63[0] : i32 from vector<1xi32>
    %add3A_65 = arith.addi %add3A_62, %squeeze3A_64 : i32
    %slice3A_66 = vector.extract_strided_slice %select_n3A {offsets = [13], sizes = [1], strides = [1]} : vector<16xi32> to vector<1xi32>
    %squeeze3A_67 = vector.extract %slice3A_66[0] : i32 from vector<1xi32>
    %add3A_68 = arith.addi %add3A_65, %squeeze3A_67 : i32
    %slice3A_69 = vector.extract_strided_slice %select_n3A {offsets = [14], sizes = [1], strides = [1]} : vector<16xi32> to vector<1xi32>
    %squeeze3A_70 = vector.extract %slice3A_69[0] : i32 from vector<1xi32>
    %add3A_71 = arith.addi %add3A_68, %squeeze3A_70 : i32
    %slice3A_72 = vector.extract_strided_slice %select_n3A {offsets = [15], sizes = [1], strides = [1]} : vector<16xi32> to vector<1xi32>
    %squeeze3A_73 = vector.extract %slice3A_72[0] : i32 from vector<1xi32>
    %add3A_74 = arith.addi %add3A_71, %squeeze3A_73 : i32
    %dma_start3A_75 = arith.constant 0 : i32
    %dma_start3A_76 = tpu.memref_slice %arg4[%and3A_0, %add3A_74, %dma_start3A_75] : memref<8x2048x2048xi32, #tpu.memory_space<hbm>> -> memref<1x1x2048xi32, #tpu.memory_space<hbm>>
    %dma_start3A_77 = tpu.memref_squeeze %dma_start3A_76 : memref<1x1x2048xi32, #tpu.memory_space<hbm>> -> memref<2048xi32, #tpu.memory_space<hbm>>
    %dma_start3A_78 = arith.constant 0 : i32
    %dma_start3A_79 = tpu.memref_slice %arg4[%and3A_0, %add3A_74, %dma_start3A_78] : memref<8x2048x2048xi32, #tpu.memory_space<hbm>> -> memref<1x1x2048xi32, #tpu.memory_space<hbm>>
    %dma_start3A_80 = tpu.memref_squeeze %dma_start3A_79 : memref<1x1x2048xi32, #tpu.memory_space<hbm>> -> memref<2048xi32, #tpu.memory_space<hbm>>
    tpu.enqueue_dma source(%dma_start3A_80 : memref<2048xi32, #tpu.memory_space<hbm>>) target(%arg9 : memref<2048xi32, #tpu.memory_space<vmem>>) target_semaphore(%arg13 : memref<!tpu.dma_semaphore, #tpu.memory_space<semaphore_mem>>)
    %dma_wait3A_81 = arith.constant 0 : i32
    %dma_wait3A_82 = tpu.memref_slice %arg4[%and3A_0, %add3A_74, %dma_wait3A_81] : memref<8x2048x2048xi32, #tpu.memory_space<hbm>> -> memref<1x1x2048xi32, #tpu.memory_space<hbm>>
    %dma_wait3A_83 = tpu.memref_squeeze %dma_wait3A_82 : memref<1x1x2048xi32, #tpu.memory_space<hbm>> -> memref<2048xi32, #tpu.memory_space<hbm>>
    %dma_wait3A_84 = arith.constant 0 : i32
    %dma_wait3A_85 = tpu.memref_slice %arg4[%and3A_0, %add3A_74, %dma_wait3A_84] : memref<8x2048x2048xi32, #tpu.memory_space<hbm>> -> memref<1x1x2048xi32, #tpu.memory_space<hbm>>
    %dma_wait3A_86 = tpu.memref_squeeze %dma_wait3A_85 : memref<1x1x2048xi32, #tpu.memory_space<hbm>> -> memref<2048xi32, #tpu.memory_space<hbm>>
    tpu.wait_dma2 semaphore(%arg13 : memref<!tpu.dma_semaphore, #tpu.memory_space<semaphore_mem>>) src(%dma_wait3A_86 : memref<2048xi32, #tpu.memory_space<hbm>>) dst(%arg9 : memref<2048xi32, #tpu.memory_space<vmem>>)
    %dma_wait3A_87 = arith.constant 0 : i32
    %dma_wait3A_88 = tpu.memref_slice %arg5[%and3A_0, %dma_wait3A_87] : memref<8x2048xi32, #tpu.memory_space<hbm>> -> memref<1x2048xi32, #tpu.memory_space<hbm>>
    %dma_wait3A_89 = tpu.memref_squeeze %dma_wait3A_88 : memref<1x2048xi32, #tpu.memory_space<hbm>> -> memref<2048xi32, #tpu.memory_space<hbm>>
    %dma_wait3A_90 = arith.constant 0 : i32
    %dma_wait3A_91 = tpu.memref_slice %arg5[%and3A_0, %dma_wait3A_90] : memref<8x2048xi32, #tpu.memory_space<hbm>> -> memref<1x2048xi32, #tpu.memory_space<hbm>>
    %dma_wait3A_92 = tpu.memref_squeeze %dma_wait3A_91 : memref<1x2048xi32, #tpu.memory_space<hbm>> -> memref<2048xi32, #tpu.memory_space<hbm>>
    tpu.wait_dma2 semaphore(%arg14 : memref<!tpu.dma_semaphore, #tpu.memory_space<semaphore_mem>>) src(%dma_wait3A_92 : memref<2048xi32, #tpu.memory_space<hbm>>) dst(%arg10 : memref<2048xi32, #tpu.memory_space<vmem>>)
    %jit3A_93 = arith.constant 16 : i32
    %div3A = arith.divsi %mul3A_2, %jit3A_93 : i32
    %sign3A = arith.constant 0 : i32
    %sign3A_94 = arith.cmpi sgt, %mul3A_2, %sign3A : i32
    %sign3A_95 = arith.extui %sign3A_94 : i1 to i32
    %sign3A_96 = arith.constant 0 : i32
    %sign3A_97 = arith.cmpi slt, %mul3A_2, %sign3A_96 : i32
    %sign3A_98 = arith.extui %sign3A_97 : i1 to i32
    %sign3A_99 = arith.subi %sign3A_95, %sign3A_98 : i32
    %sign3A_100 = arith.constant 0 : i32
    %sign3A_101 = arith.cmpi sgt, %jit3A_93, %sign3A_100 : i32
    %sign3A_102 = arith.extui %sign3A_101 : i1 to i32
    %sign3A_103 = arith.constant 0 : i32
    %sign3A_104 = arith.cmpi slt, %jit3A_93, %sign3A_103 : i32
    %sign3A_105 = arith.extui %sign3A_104 : i1 to i32
    %sign3A_106 = arith.subi %sign3A_102, %sign3A_105 : i32
    %ne3A = arith.cmpi ne, %sign3A_99, %sign3A_106 : i32
    %rem3A = arith.remsi %mul3A_2, %jit3A_93 : i32
    %ne3A_107 = arith.constant 0 : i32
    %ne3A_108 = arith.cmpi ne, %rem3A, %ne3A_107 : i32
    %and3A_109 = arith.andi %ne3A, %ne3A_108 : i1
    %sub3A = arith.constant 1 : i32
    %sub3A_110 = arith.subi %div3A, %sub3A : i32
    %select_n3A_111 = arith.select %and3A_109, %sub3A_110, %div3A : i32
    %broadcast_in_dim3A_112 = arith.constant 0.000000e+00 : f32
    %broadcast_in_dim3A_113 = vector.broadcast %broadcast_in_dim3A_112 : f32 to vector<16xf32>
    %add3A_114 = arith.constant 64 : i32
    %add3A_115 = arith.addi %select_n3A_111, %add3A_114 : i32
    %while3A = arith.subi %add3A_115, %select_n3A_111 : i32
    %while3A_116 = arith.addi %select_n3A_111, %while3A : i32
    %while3A_117 = arith.constant 1 : i32
    %while3A_118 = arith.divsi %while3A, %while3A_117 : i32
    %while3A_119 = arith.muli %while3A_118, %while3A_117 : i32
    %while3A_120 = arith.addi %select_n3A_111, %while3A_119 : i32
    %while3A_121 = arith.constant 1 : i32
    %while3A_122:2 = scf.for %while3A_132 = %select_n3A_111 to %while3A_120 step %while3A_121 iter_args(%while3A_133 = %broadcast_in_dim3A_113, %while3A_134 = %broadcast_in_dim3A_113) -> (vector<16xf32>, vector<16xf32>)  : i32 {
      %mul3A_135 = arith.constant 16 : i32
      %mul3A_136 = arith.muli %while3A_132, %mul3A_135 : i32
      %get3A_137 = arith.index_cast %mul3A_136 : i32 to index
      %get3A_138 = tpu.vector_load %arg9[%get3A_137] {strides = array<i32>} : memref<2048xi32, #tpu.memory_space<vmem>>, vector<16xi32>,
      %get3A_139 = vector.shape_cast %get3A_138 : vector<16xi32> to vector<16xi32>
      %convert_element_type3A = arith.sitofp %get3A_139 : vector<16xi32> to vector<16xf32>
      %mul3A_140 = arith.constant 16 : i32
      %mul3A_141 = arith.muli %while3A_132, %mul3A_140 : i32
      %get3A_142 = arith.index_cast %mul3A_141 : i32 to index
      %get3A_143 = tpu.vector_load %arg10[%get3A_142] {strides = array<i32>} : memref<2048xi32, #tpu.memory_space<vmem>>, vector<16xi32>,
      %get3A_144 = vector.shape_cast %get3A_143 : vector<16xi32> to vector<16xi32>
      %lt3A = vector.broadcast %squeeze3A : i32 to vector<16xi32>
      %lt3A_145 = arith.cmpi slt, %get3A_144, %lt3A : vector<16xi32>
      %jit3A_146 = arith.constant 1.000000e+00 : f32
      %jit3A_147 = arith.constant 0.000000e+00 : f32
      %broadcast_in_dim3A_148 = vector.broadcast %jit3A_146 : f32 to vector<16xf32>
      %broadcast_in_dim3A_149 = vector.broadcast %jit3A_147 : f32 to vector<16xf32>
      %select_n3A_150 = arith.select %lt3A_145, %broadcast_in_dim3A_148, %broadcast_in_dim3A_149 : vector<16xi1>, vector<16xf32>
      %add3A_151 = arith.addf %while3A_133, %convert_element_type3A : vector<16xf32>
      %mul3A_152 = arith.mulf %convert_element_type3A, %select_n3A_150 : vector<16xf32>
      %add3A_153 = arith.addf %while3A_134, %mul3A_152 : vector<16xf32>
      scf.yield %add3A_151, %add3A_153 : vector<16xf32>, vector<16xf32>
    }
    %while3A_123 = arith.constant 1 : i32
    %while3A_124:2 = scf.for %while3A_132 = %while3A_120 to %while3A_116 step %while3A_123 iter_args(%while3A_133 = %while3A_122#0, %while3A_134 = %while3A_122#1) -> (vector<16xf32>, vector<16xf32>)  : i32 {
      %mul3A_135 = arith.constant 16 : i32
      %mul3A_136 = arith.muli %while3A_132, %mul3A_135 : i32
      %get3A_137 = arith.index_cast %mul3A_136 : i32 to index
      %get3A_138 = tpu.vector_load %arg9[%get3A_137] {strides = array<i32>} : memref<2048xi32, #tpu.memory_space<vmem>>, vector<16xi32>,
      %get3A_139 = vector.shape_cast %get3A_138 : vector<16xi32> to vector<16xi32>
      %convert_element_type3A = arith.sitofp %get3A_139 : vector<16xi32> to vector<16xf32>
      %mul3A_140 = arith.constant 16 : i32
      %mul3A_141 = arith.muli %while3A_132, %mul3A_140 : i32
      %get3A_142 = arith.index_cast %mul3A_141 : i32 to index
      %get3A_143 = tpu.vector_load %arg10[%get3A_142] {strides = array<i32>} : memref<2048xi32, #tpu.memory_space<vmem>>, vector<16xi32>,
      %get3A_144 = vector.shape_cast %get3A_143 : vector<16xi32> to vector<16xi32>
      %lt3A = vector.broadcast %squeeze3A : i32 to vector<16xi32>
      %lt3A_145 = arith.cmpi slt, %get3A_144, %lt3A : vector<16xi32>
      %jit3A_146 = arith.constant 1.000000e+00 : f32
      %jit3A_147 = arith.constant 0.000000e+00 : f32
      %broadcast_in_dim3A_148 = vector.broadcast %jit3A_146 : f32 to vector<16xf32>
      %broadcast_in_dim3A_149 = vector.broadcast %jit3A_147 : f32 to vector<16xf32>
      %select_n3A_150 = arith.select %lt3A_145, %broadcast_in_dim3A_148, %broadcast_in_dim3A_149 : vector<16xi1>, vector<16xf32>
      %add3A_151 = arith.addf %while3A_133, %convert_element_type3A : vector<16xf32>
      %mul3A_152 = arith.mulf %convert_element_type3A, %select_n3A_150 : vector<16xf32>
      %add3A_153 = arith.addf %while3A_134, %mul3A_152 : vector<16xf32>
      scf.yield %add3A_151, %add3A_153 : vector<16xf32>, vector<16xf32>
    }
    %swap3A = arith.constant 0 : index
    %swap3A_125 = tpu.vector_load %arg11[%swap3A] {strides = array<i32>} : memref<16xf32, #tpu.memory_space<vmem>>, vector<16xf32>,
    %swap3A_126 = vector.shape_cast %swap3A_125 : vector<16xf32> to vector<16xf32>
    %swap3A_127 = vector.shape_cast %while3A_124#0 : vector<16xf32> to vector<16xf32>
    tpu.vector_store %arg11[%swap3A], %swap3A_127 {strides = array<i32>} : memref<16xf32, #tpu.memory_space<vmem>>, vector<16xf32>,
    %swap3A_128 = arith.constant 0 : index
    %swap3A_129 = tpu.vector_load %arg12[%swap3A_128] {strides = array<i32>} : memref<16xf32, #tpu.memory_space<vmem>>, vector<16xf32>,
    %swap3A_130 = vector.shape_cast %swap3A_129 : vector<16xf32> to vector<16xf32>
    %swap3A_131 = vector.shape_cast %while3A_124#1 : vector<16xf32> to vector<16xf32>
    tpu.vector_store %arg12[%swap3A_128], %swap3A_131 {strides = array<i32>} : memref<16xf32, #tpu.memory_space<vmem>>, vector<16xf32>,
    "tpu.region"() ({
      %run_scoped3A = tpu.sem_alloc : memref<!tpu.dma_semaphore, #tpu.memory_space<semaphore_mem>>
      %dma_start3A_132 = arith.constant 0 : i32
      %dma_start3A_133 = tpu.memref_slice %arg6[%arg1, %dma_start3A_132] : memref<16x32xf32, #tpu.memory_space<hbm>> -> memref<1x16xf32, #tpu.memory_space<hbm>>
      %dma_start3A_134 = tpu.memref_squeeze %dma_start3A_133 : memref<1x16xf32, #tpu.memory_space<hbm>> -> memref<16xf32, #tpu.memory_space<hbm>>
      %dma_start3A_135 = arith.constant 0 : i32
      %dma_start3A_136 = tpu.memref_slice %arg6[%arg1, %dma_start3A_135] : memref<16x32xf32, #tpu.memory_space<hbm>> -> memref<1x16xf32, #tpu.memory_space<hbm>>
      %dma_start3A_137 = tpu.memref_squeeze %dma_start3A_136 : memref<1x16xf32, #tpu.memory_space<hbm>> -> memref<16xf32, #tpu.memory_space<hbm>>
      tpu.enqueue_dma source(%arg11 : memref<16xf32, #tpu.memory_space<vmem>>) target(%dma_start3A_137 : memref<16xf32, #tpu.memory_space<hbm>>) target_semaphore(%run_scoped3A : memref<!tpu.dma_semaphore, #tpu.memory_space<semaphore_mem>>)
      %dma_wait3A_138 = arith.constant 0 : i32
      %dma_wait3A_139 = tpu.memref_slice %arg6[%arg1, %dma_wait3A_138] : memref<16x32xf32, #tpu.memory_space<hbm>> -> memref<1x16xf32, #tpu.memory_space<hbm>>
      %dma_wait3A_140 = tpu.memref_squeeze %dma_wait3A_139 : memref<1x16xf32, #tpu.memory_space<hbm>> -> memref<16xf32, #tpu.memory_space<hbm>>
      %dma_wait3A_141 = arith.constant 0 : i32
      %dma_wait3A_142 = tpu.memref_slice %arg6[%arg1, %dma_wait3A_141] : memref<16x32xf32, #tpu.memory_space<hbm>> -> memref<1x16xf32, #tpu.memory_space<hbm>>
      %dma_wait3A_143 = tpu.memref_squeeze %dma_wait3A_142 : memref<1x16xf32, #tpu.memory_space<hbm>> -> memref<16xf32, #tpu.memory_space<hbm>>
      tpu.wait_dma2 semaphore(%run_scoped3A : memref<!tpu.dma_semaphore, #tpu.memory_space<semaphore_mem>>) src(%arg11 : memref<16xf32, #tpu.memory_space<vmem>>) dst(%dma_wait3A_143 : memref<16xf32, #tpu.memory_space<hbm>>)
      tpu.yield
    }) : () -> ()
    "tpu.region"() ({
      %run_scoped3A = tpu.sem_alloc : memref<!tpu.dma_semaphore, #tpu.memory_space<semaphore_mem>>
      %dma_start3A_132 = arith.constant 16 : i32
      %dma_start3A_133 = tpu.memref_slice %arg6[%arg1, %dma_start3A_132] : memref<16x32xf32, #tpu.memory_space<hbm>> -> memref<1x16xf32, #tpu.memory_space<hbm>>
      %dma_start3A_134 = tpu.memref_squeeze %dma_start3A_133 : memref<1x16xf32, #tpu.memory_space<hbm>> -> memref<16xf32, #tpu.memory_space<hbm>>
      %dma_start3A_135 = arith.constant 16 : i32
      %dma_start3A_136 = tpu.memref_slice %arg6[%arg1, %dma_start3A_135] : memref<16x32xf32, #tpu.memory_space<hbm>> -> memref<1x16xf32, #tpu.memory_space<hbm>>
      %dma_start3A_137 = tpu.memref_squeeze %dma_start3A_136 : memref<1x16xf32, #tpu.memory_space<hbm>> -> memref<16xf32, #tpu.memory_space<hbm>>
      tpu.enqueue_dma source(%arg12 : memref<16xf32, #tpu.memory_space<vmem>>) target(%dma_start3A_137 : memref<16xf32, #tpu.memory_space<hbm>>) target_semaphore(%run_scoped3A : memref<!tpu.dma_semaphore, #tpu.memory_space<semaphore_mem>>)
      %dma_wait3A_138 = arith.constant 16 : i32
      %dma_wait3A_139 = tpu.memref_slice %arg6[%arg1, %dma_wait3A_138] : memref<16x32xf32, #tpu.memory_space<hbm>> -> memref<1x16xf32, #tpu.memory_space<hbm>>
      %dma_wait3A_140 = tpu.memref_squeeze %dma_wait3A_139 : memref<1x16xf32, #tpu.memory_space<hbm>> -> memref<16xf32, #tpu.memory_space<hbm>>
      %dma_wait3A_141 = arith.constant 16 : i32
      %dma_wait3A_142 = tpu.memref_slice %arg6[%arg1, %dma_wait3A_141] : memref<16x32xf32, #tpu.memory_space<hbm>> -> memref<1x16xf32, #tpu.memory_space<hbm>>
      %dma_wait3A_143 = tpu.memref_squeeze %dma_wait3A_142 : memref<1x16xf32, #tpu.memory_space<hbm>> -> memref<16xf32, #tpu.memory_space<hbm>>
      tpu.wait_dma2 semaphore(%run_scoped3A : memref<!tpu.dma_semaphore, #tpu.memory_space<semaphore_mem>>) src(%arg12 : memref<16xf32, #tpu.memory_space<vmem>>) dst(%dma_wait3A_143 : memref<16xf32, #tpu.memory_space<hbm>>)
      tpu.yield
    }) : () -> ()
    return
  }
}

module attributes {stable_mosaic.version = 14 : i64} {
  func.func @_pre_body(%arg0: i32, %arg1: memref<8x512xf32, #tpu.memory_space<vmem>>, %arg2: memref<8x512xf32, #tpu.memory_space<vmem>>, %arg3: memref<8x512xf32, #tpu.memory_space<vmem>>, %arg4: memref<512x512xf32, #tpu.memory_space<vmem>>, %arg5: memref<512x512xf32, #tpu.memory_space<vmem>>, %arg6: memref<512x512xf32, #tpu.memory_space<vmem>>, %arg7: memref<1x512xf32, #tpu.memory_space<vmem>>, %arg8: memref<8x512xf32, #tpu.memory_space<vmem>>, %arg9: memref<2x512xf32, #tpu.memory_space<vmem>>) attributes {dimension_semantics = [#tpu.dimension_semantics<arbitrary>], iteration_bounds = array<i64: 4>, scalar_prefetch = 0 : i64, scratch_operands = 0 : i64, tpu.core_type = #tpu.core_type<tc>, window_params = [{pipeline_mode = #tpu.pipeline_mode<synchronous>, transform_indices = @transform_0, window_bounds = array<i64: 8, 512>}, {pipeline_mode = #tpu.pipeline_mode<synchronous>, transform_indices = @transform_1, window_bounds = array<i64: 8, 512>}, {pipeline_mode = #tpu.pipeline_mode<synchronous>, transform_indices = @transform_2, window_bounds = array<i64: 8, 512>}, {transform_indices = @transform_3, window_bounds = array<i64: 512, 512>}, {transform_indices = @transform_4, window_bounds = array<i64: 512, 512>}, {transform_indices = @transform_5, window_bounds = array<i64: 512, 512>}, {transform_indices = @transform_6, window_bounds = array<i64: 1, 512>}, {transform_indices = @transform_7, window_bounds = array<i64: 8, 512>}, {transform_indices = @transform_8, window_bounds = array<i64: 2, 512>}]} {
    %get3A = arith.constant 0 : index
    %get3A_0 = arith.constant 0 : index
    %get3A_1 = vector.load %arg1[%get3A, %get3A_0] : memref<8x512xf32, #tpu.memory_space<vmem>>, vector<8x512xf32>
    %get3A_2 = arith.constant 0 : index
    %get3A_3 = arith.constant 0 : index
    %get3A_4 = vector.load %arg2[%get3A_2, %get3A_3] : memref<8x512xf32, #tpu.memory_space<vmem>>, vector<8x512xf32>
    %get3A_5 = arith.constant 0 : index
    %get3A_6 = arith.constant 0 : index
    %get3A_7 = vector.load %arg4[%get3A_5, %get3A_6] : memref<512x512xf32, #tpu.memory_space<vmem>>, vector<512x512xf32>
    %dot_general3A = arith.constant dense<0.000000e+00> : vector<8x512xf32>
    %dot_general3A_8 = tpu.matmul %get3A_1, %get3A_7, %dot_general3A {dimension_numbers = #tpu.dot_dimension_numbers<[1], [0], [0], [1], [0, 0, 1, 1], [], []>, transpose_lhs_hint = false} : vector<8x512xf32>, vector<512x512xf32>, vector<8x512xf32> -> vector<8x512xf32>
    %get3A_9 = arith.constant 0 : index
    %get3A_10 = arith.constant 0 : index
    %get3A_11 = vector.load %arg5[%get3A_9, %get3A_10] : memref<512x512xf32, #tpu.memory_space<vmem>>, vector<512x512xf32>
    %dot_general3A_12 = arith.constant dense<0.000000e+00> : vector<8x512xf32>
    %dot_general3A_13 = tpu.matmul %get3A_4, %get3A_11, %dot_general3A_12 {dimension_numbers = #tpu.dot_dimension_numbers<[1], [0], [0], [1], [0, 0, 1, 1], [], []>, transpose_lhs_hint = false} : vector<8x512xf32>, vector<512x512xf32>, vector<8x512xf32> -> vector<8x512xf32>
    %add3A = arith.addf %dot_general3A_8, %dot_general3A_13 : vector<8x512xf32>
    %get3A_14 = arith.constant 0 : index
    %get3A_15 = arith.constant 0 : index
    %get3A_16 = vector.load %arg7[%get3A_14, %get3A_15] : memref<1x512xf32, #tpu.memory_space<vmem>>, vector<1x512xf32>
    %add3A_17 = vector.broadcast %get3A_16 : vector<1x512xf32> to vector<8x512xf32>
    %add3A_18 = arith.addf %add3A, %add3A_17 : vector<8x512xf32>
    %swap3A = arith.constant 0 : index
    %swap3A_19 = arith.constant 0 : index
    %swap3A_20 = vector.load %arg8[%swap3A, %swap3A_19] : memref<8x512xf32, #tpu.memory_space<vmem>>, vector<8x512xf32>
    tpu.vector_store %arg8[%swap3A, %swap3A_19], %add3A_18 {strides = array<i32>} : memref<8x512xf32, #tpu.memory_space<vmem>>, vector<8x512xf32>,
    %reduce_sum3A = arith.constant dense<0.000000e+00> : vector<512xf32>
    %reduce_sum3A_21 = vector.multi_reduction <add>, %get3A_4, %reduce_sum3A [0] : vector<8x512xf32> to vector<512xf32>
    %broadcast_in_dim3A = vector.shape_cast %reduce_sum3A_21 : vector<512xf32> to vector<1x512xf32>
    %get3A_22 = arith.constant 0 : index
    %get3A_23 = arith.constant 0 : index
    %get3A_24 = vector.load %arg3[%get3A_22, %get3A_23] : memref<8x512xf32, #tpu.memory_space<vmem>>, vector<8x512xf32>
    %reduce_sum3A_25 = arith.constant dense<0.000000e+00> : vector<512xf32>
    %reduce_sum3A_26 = vector.multi_reduction <add>, %get3A_24, %reduce_sum3A_25 [0] : vector<8x512xf32> to vector<512xf32>
    %broadcast_in_dim3A_27 = vector.shape_cast %reduce_sum3A_26 : vector<512xf32> to vector<1x512xf32>
    %concatenate3A = tpu.concatenate %broadcast_in_dim3A, %broadcast_in_dim3A_27 in 0 : vector<1x512xf32>, vector<1x512xf32> -> vector<2x512xf32>
    %get3A_28 = arith.constant 0 : index
    %get3A_29 = arith.constant 0 : index
    %get3A_30 = vector.load %arg6[%get3A_28, %get3A_29] : memref<512x512xf32, #tpu.memory_space<vmem>>, vector<512x512xf32>
    %dot_general3A_31 = arith.constant dense<0.000000e+00> : vector<2x512xf32>
    %dot_general3A_32 = tpu.matmul %concatenate3A, %get3A_30, %dot_general3A_31 {dimension_numbers = #tpu.dot_dimension_numbers<[1], [0], [0], [1], [0, 0, 1, 1], [], []>, transpose_lhs_hint = false} : vector<2x512xf32>, vector<512x512xf32>, vector<2x512xf32> -> vector<2x512xf32>
    %swap3A_33 = arith.constant 0 : index
    %swap3A_34 = arith.constant 0 : index
    %swap3A_35 = vector.load %arg9[%swap3A_33, %swap3A_34] : memref<2x512xf32, #tpu.memory_space<vmem>>, vector<2x512xf32>
    tpu.vector_store %arg9[%swap3A_33, %swap3A_34], %dot_general3A_32 {strides = array<i32>} : memref<2x512xf32, #tpu.memory_space<vmem>>, vector<2x512xf32>,
    return
  }
  func.func @transform_0(%arg0: i32) -> (i32, i32) {
    %c0_i32 = arith.constant 0 : i32
    %c0_i32_0 = arith.constant 0 : i32
    %c0_i32_1 = arith.constant 0 : i32
    return %c0_i32, %c0_i32_0 : i32, i32
  }
  func.func @transform_1(%arg0: i32) -> (i32, i32) {
    %c0_i32 = arith.constant 0 : i32
    %c0_i32_0 = arith.constant 0 : i32
    %c0_i32_1 = arith.constant 0 : i32
    return %c0_i32, %c0_i32_0 : i32, i32
  }
  func.func @transform_2(%arg0: i32) -> (i32, i32) {
    %c0_i32 = arith.constant 0 : i32
    %c0_i32_0 = arith.constant 0 : i32
    %c0_i32_1 = arith.constant 0 : i32
    return %c0_i32, %c0_i32_0 : i32, i32
  }
  func.func @transform_3(%arg0: i32) -> (i32, i32) {
    %c0_i32 = arith.constant 0 : i32
    %c0_i32_0 = arith.constant 0 : i32
    return %c0_i32, %arg0 : i32, i32
  }
  func.func @transform_4(%arg0: i32) -> (i32, i32) {
    %c0_i32 = arith.constant 0 : i32
    %c0_i32_0 = arith.constant 0 : i32
    return %c0_i32, %arg0 : i32, i32
  }
  func.func @transform_5(%arg0: i32) -> (i32, i32) {
    %ge3A = arith.constant 1 : i32
    %ge3A_0 = arith.cmpi sge, %arg0, %ge3A : i32
    %lt3A = arith.constant 2 : i32
    %lt3A_1 = arith.cmpi slt, %arg0, %lt3A : i32
    %and3A = arith.andi %ge3A_0, %lt3A_1 : i1
    %jit3A = arith.constant 0 : i32
    %select_n3A = arith.select %and3A, %jit3A, %arg0 : i32
    %c0_i32 = arith.constant 0 : i32
    %c0_i32_2 = arith.constant 0 : i32
    return %c0_i32, %select_n3A : i32, i32
  }
  func.func @transform_6(%arg0: i32) -> (i32, i32) {
    %c0_i32 = arith.constant 0 : i32
    %c0_i32_0 = arith.constant 0 : i32
    return %c0_i32, %arg0 : i32, i32
  }
  func.func @transform_7(%arg0: i32) -> (i32, i32) {
    %c0_i32 = arith.constant 0 : i32
    %c0_i32_0 = arith.constant 0 : i32
    return %c0_i32, %arg0 : i32, i32
  }
  func.func @transform_8(%arg0: i32) -> (i32, i32) {
    %c0_i32 = arith.constant 0 : i32
    %c0_i32_0 = arith.constant 0 : i32
    return %c0_i32, %arg0 : i32, i32
  }
}

module attributes {stable_mosaic.version = 14 : i64} {
  func.func @_cell_body(%arg0: memref<16x32xf32, #tpu.memory_space<vmem>>, %arg1: memref<8x2048xf32, #tpu.memory_space<vmem>>, %arg2: memref<2x2048xf32, #tpu.memory_space<vmem>>, %arg3: memref<8x512xf32, #tpu.memory_space<vmem>>, %arg4: memref<8x512xf32, #tpu.memory_space<vmem>>, %arg5: memref<8x512xf32, #tpu.memory_space<vmem>>) attributes {dimension_semantics = [], scalar_prefetch = 0 : i64, scratch_operands = 0 : i64, tpu.core_type = #tpu.core_type<tc>} {
    %get3A = arith.constant 0 : index
    %get3A_0 = arith.constant 0 : index
    %get3A_1 = vector.load %arg0[%get3A, %get3A_0] : memref<16x32xf32, #tpu.memory_space<vmem>>, vector<16x32xf32>
    %slice3A = vector.extract_strided_slice %get3A_1 {offsets = [0, 0], sizes = [8, 32], strides = [1, 1]} : vector<16x32xf32> to vector<8x32xf32>
    %slice3A_2 = vector.extract_strided_slice %get3A_1 {offsets = [8, 0], sizes = [8, 32], strides = [1, 1]} : vector<16x32xf32> to vector<8x32xf32>
    %add3A = arith.addf %slice3A, %slice3A_2 : vector<8x32xf32>
    %slice3A_3 = vector.extract_strided_slice %add3A {offsets = [0, 0], sizes = [8, 16], strides = [1, 1]} : vector<8x32xf32> to vector<8x16xf32>
    %reduce_sum3A = arith.constant dense<0.000000e+00> : vector<8xf32>
    %reduce_sum3A_4 = vector.multi_reduction <add>, %slice3A_3, %reduce_sum3A [1] : vector<8x16xf32> to vector<8xf32>
    %broadcast_in_dim3A = vector.shape_cast %reduce_sum3A_4 : vector<8xf32> to vector<8x1xf32>
    %slice3A_5 = vector.extract_strided_slice %add3A {offsets = [0, 16], sizes = [8, 16], strides = [1, 1]} : vector<8x32xf32> to vector<8x16xf32>
    %reduce_sum3A_6 = arith.constant dense<0.000000e+00> : vector<8xf32>
    %reduce_sum3A_7 = vector.multi_reduction <add>, %slice3A_5, %reduce_sum3A_6 [1] : vector<8x16xf32> to vector<8xf32>
    %broadcast_in_dim3A_8 = vector.shape_cast %reduce_sum3A_7 : vector<8xf32> to vector<8x1xf32>
    %ne3A = arith.constant 0.000000e+00 : f32
    %ne3A_9 = vector.broadcast %ne3A : f32 to vector<8x1xf32>
    %ne3A_10 = arith.cmpf one, %broadcast_in_dim3A, %ne3A_9 : vector<8x1xf32>
    %eq3A = arith.constant 0.000000e+00 : f32
    %eq3A_11 = vector.broadcast %eq3A : f32 to vector<8x1xf32>
    %eq3A_12 = arith.cmpf oeq, %broadcast_in_dim3A, %eq3A_11 : vector<8x1xf32>
    %jit3A = arith.constant 1.000000e+00 : f32
    %broadcast_in_dim3A_13 = vector.broadcast %jit3A : f32 to vector<8x1xf32>
    %select_n3A = arith.select %eq3A_12, %broadcast_in_dim3A_13, %broadcast_in_dim3A : vector<8x1xi1>, vector<8x1xf32>
    %div3A = arith.constant 1.000000e+00 : f32
    %div3A_14 = vector.broadcast %div3A : f32 to vector<8x1xf32>
    %div3A_15 = arith.divf %div3A_14, %select_n3A : vector<8x1xf32>
    %jit3A_16 = arith.constant 0.000000e+00 : f32
    %broadcast_in_dim3A_17 = vector.broadcast %jit3A_16 : f32 to vector<8x1xf32>
    %select_n3A_18 = arith.select %ne3A_10, %div3A_15, %broadcast_in_dim3A_17 : vector<8x1xi1>, vector<8x1xf32>
    %mul3A = arith.mulf %broadcast_in_dim3A_8, %select_n3A_18 : vector<8x1xf32>
    %sub3A = arith.subf %broadcast_in_dim3A, %broadcast_in_dim3A_8 : vector<8x1xf32>
    %mul3A_19 = arith.mulf %sub3A, %select_n3A_18 : vector<8x1xf32>
    %get3A_20 = arith.constant 0 : index
    %get3A_21 = arith.constant 0 : index
    %get3A_22 = vector.load %arg1[%get3A_20, %get3A_21] : memref<8x2048xf32, #tpu.memory_space<vmem>>, vector<8x2048xf32>
    %get3A_23 = arith.constant 0 : index
    %get3A_24 = arith.constant 0 : index
    %get3A_25 = vector.load %arg2[%get3A_23, %get3A_24] : memref<2x2048xf32, #tpu.memory_space<vmem>>, vector<2x2048xf32>
    %slice3A_26 = vector.extract_strided_slice %get3A_22 {offsets = [0, 0], sizes = [8, 512], strides = [1, 1]} : vector<8x2048xf32> to vector<8x512xf32>
    %slice3A_27 = vector.extract_strided_slice %get3A_25 {offsets = [0, 0], sizes = [1, 512], strides = [1, 1]} : vector<2x2048xf32> to vector<1x512xf32>
    %mul3A_28 = vector.broadcast %mul3A : vector<8x1xf32> to vector<8x512xf32>
    %mul3A_29 = vector.broadcast %slice3A_27 : vector<1x512xf32> to vector<8x512xf32>
    %mul3A_30 = arith.mulf %mul3A_28, %mul3A_29 : vector<8x512xf32>
    %slice3A_31 = vector.extract_strided_slice %get3A_25 {offsets = [1, 0], sizes = [1, 512], strides = [1, 1]} : vector<2x2048xf32> to vector<1x512xf32>
    %mul3A_32 = vector.broadcast %mul3A_19 : vector<8x1xf32> to vector<8x512xf32>
    %mul3A_33 = vector.broadcast %slice3A_31 : vector<1x512xf32> to vector<8x512xf32>
    %mul3A_34 = arith.mulf %mul3A_32, %mul3A_33 : vector<8x512xf32>
    %add3A_35 = arith.addf %mul3A_30, %mul3A_34 : vector<8x512xf32>
    %add3A_36 = arith.addf %slice3A_26, %add3A_35 : vector<8x512xf32>
    %mul3A_37 = arith.constant 2.000000e-01 : f32
    %mul3A_38 = vector.broadcast %mul3A_37 : f32 to vector<8x512xf32>
    %mul3A_39 = arith.mulf %mul3A_38, %add3A_36 : vector<8x512xf32>
    %add3A_40 = arith.constant 5.000000e-01 : f32
    %add3A_41 = vector.broadcast %add3A_40 : f32 to vector<8x512xf32>
    %add3A_42 = arith.addf %mul3A_39, %add3A_41 : vector<8x512xf32>
    %jit3A_43 = arith.constant 0.000000e+00 : f32
    %jit3A_44 = arith.constant 1.000000e+00 : f32
    %max3A = vector.broadcast %jit3A_43 : f32 to vector<8x512xf32>
    %max3A_45 = arith.maximumf %max3A, %add3A_42 : vector<8x512xf32>
    %min3A = vector.broadcast %jit3A_44 : f32 to vector<8x512xf32>
    %min3A_46 = arith.minimumf %min3A, %max3A_45 : vector<8x512xf32>
    %slice3A_47 = vector.extract_strided_slice %get3A_22 {offsets = [0, 512], sizes = [8, 512], strides = [1, 1]} : vector<8x2048xf32> to vector<8x512xf32>
    %mul3A_48 = arith.constant 2.000000e-01 : f32
    %mul3A_49 = vector.broadcast %mul3A_48 : f32 to vector<8x512xf32>
    %mul3A_50 = arith.mulf %mul3A_49, %slice3A_47 : vector<8x512xf32>
    %add3A_51 = arith.constant 5.000000e-01 : f32
    %add3A_52 = vector.broadcast %add3A_51 : f32 to vector<8x512xf32>
    %add3A_53 = arith.addf %mul3A_50, %add3A_52 : vector<8x512xf32>
    %jit3A_54 = arith.constant 0.000000e+00 : f32
    %jit3A_55 = arith.constant 1.000000e+00 : f32
    %max3A_56 = vector.broadcast %jit3A_54 : f32 to vector<8x512xf32>
    %max3A_57 = arith.maximumf %max3A_56, %add3A_53 : vector<8x512xf32>
    %min3A_58 = vector.broadcast %jit3A_55 : f32 to vector<8x512xf32>
    %min3A_59 = arith.minimumf %min3A_58, %max3A_57 : vector<8x512xf32>
    %slice3A_60 = vector.extract_strided_slice %get3A_22 {offsets = [0, 1024], sizes = [8, 512], strides = [1, 1]} : vector<8x2048xf32> to vector<8x512xf32>
    %slice3A_61 = vector.extract_strided_slice %get3A_25 {offsets = [0, 1024], sizes = [1, 512], strides = [1, 1]} : vector<2x2048xf32> to vector<1x512xf32>
    %mul3A_62 = vector.broadcast %mul3A : vector<8x1xf32> to vector<8x512xf32>
    %mul3A_63 = vector.broadcast %slice3A_61 : vector<1x512xf32> to vector<8x512xf32>
    %mul3A_64 = arith.mulf %mul3A_62, %mul3A_63 : vector<8x512xf32>
    %slice3A_65 = vector.extract_strided_slice %get3A_25 {offsets = [1, 1024], sizes = [1, 512], strides = [1, 1]} : vector<2x2048xf32> to vector<1x512xf32>
    %mul3A_66 = vector.broadcast %mul3A_19 : vector<8x1xf32> to vector<8x512xf32>
    %mul3A_67 = vector.broadcast %slice3A_65 : vector<1x512xf32> to vector<8x512xf32>
    %mul3A_68 = arith.mulf %mul3A_66, %mul3A_67 : vector<8x512xf32>
    %add3A_69 = arith.addf %mul3A_64, %mul3A_68 : vector<8x512xf32>
    %add3A_70 = arith.addf %slice3A_60, %add3A_69 : vector<8x512xf32>
    %tanh3A = math.tanh %add3A_70 : vector<8x512xf32>
    %slice3A_71 = vector.extract_strided_slice %get3A_22 {offsets = [0, 1536], sizes = [8, 512], strides = [1, 1]} : vector<8x2048xf32> to vector<8x512xf32>
    %slice3A_72 = vector.extract_strided_slice %get3A_25 {offsets = [0, 1536], sizes = [1, 512], strides = [1, 1]} : vector<2x2048xf32> to vector<1x512xf32>
    %mul3A_73 = vector.broadcast %mul3A : vector<8x1xf32> to vector<8x512xf32>
    %mul3A_74 = vector.broadcast %slice3A_72 : vector<1x512xf32> to vector<8x512xf32>
    %mul3A_75 = arith.mulf %mul3A_73, %mul3A_74 : vector<8x512xf32>
    %slice3A_76 = vector.extract_strided_slice %get3A_25 {offsets = [1, 1536], sizes = [1, 512], strides = [1, 1]} : vector<2x2048xf32> to vector<1x512xf32>
    %mul3A_77 = vector.broadcast %mul3A_19 : vector<8x1xf32> to vector<8x512xf32>
    %mul3A_78 = vector.broadcast %slice3A_76 : vector<1x512xf32> to vector<8x512xf32>
    %mul3A_79 = arith.mulf %mul3A_77, %mul3A_78 : vector<8x512xf32>
    %add3A_80 = arith.addf %mul3A_75, %mul3A_79 : vector<8x512xf32>
    %add3A_81 = arith.addf %slice3A_71, %add3A_80 : vector<8x512xf32>
    %mul3A_82 = arith.constant 2.000000e-01 : f32
    %mul3A_83 = vector.broadcast %mul3A_82 : f32 to vector<8x512xf32>
    %mul3A_84 = arith.mulf %mul3A_83, %add3A_81 : vector<8x512xf32>
    %add3A_85 = arith.constant 5.000000e-01 : f32
    %add3A_86 = vector.broadcast %add3A_85 : f32 to vector<8x512xf32>
    %add3A_87 = arith.addf %mul3A_84, %add3A_86 : vector<8x512xf32>
    %jit3A_88 = arith.constant 0.000000e+00 : f32
    %jit3A_89 = arith.constant 1.000000e+00 : f32
    %max3A_90 = vector.broadcast %jit3A_88 : f32 to vector<8x512xf32>
    %max3A_91 = arith.maximumf %max3A_90, %add3A_87 : vector<8x512xf32>
    %min3A_92 = vector.broadcast %jit3A_89 : f32 to vector<8x512xf32>
    %min3A_93 = arith.minimumf %min3A_92, %max3A_91 : vector<8x512xf32>
    %get3A_94 = arith.constant 0 : index
    %get3A_95 = arith.constant 0 : index
    %get3A_96 = vector.load %arg3[%get3A_94, %get3A_95] : memref<8x512xf32, #tpu.memory_space<vmem>>, vector<8x512xf32>
    %mul3A_97 = arith.mulf %min3A_59, %get3A_96 : vector<8x512xf32>
    %mul3A_98 = arith.mulf %min3A_46, %tanh3A : vector<8x512xf32>
    %add3A_99 = arith.addf %mul3A_97, %mul3A_98 : vector<8x512xf32>
    %tanh3A_100 = math.tanh %add3A_99 : vector<8x512xf32>
    %mul3A_101 = arith.mulf %min3A_93, %tanh3A_100 : vector<8x512xf32>
    %swap3A = arith.constant 0 : index
    %swap3A_102 = arith.constant 0 : index
    %swap3A_103 = vector.load %arg4[%swap3A, %swap3A_102] : memref<8x512xf32, #tpu.memory_space<vmem>>, vector<8x512xf32>
    tpu.vector_store %arg4[%swap3A, %swap3A_102], %mul3A_101 {strides = array<i32>} : memref<8x512xf32, #tpu.memory_space<vmem>>, vector<8x512xf32>,
    %swap3A_104 = arith.constant 0 : index
    %swap3A_105 = arith.constant 0 : index
    %swap3A_106 = vector.load %arg5[%swap3A_104, %swap3A_105] : memref<8x512xf32, #tpu.memory_space<vmem>>, vector<8x512xf32>
    tpu.vector_store %arg5[%swap3A_104, %swap3A_105], %add3A_99 {strides = array<i32>} : memref<8x512xf32, #tpu.memory_space<vmem>>, vector<8x512xf32>,
    return
  }
}

</mosaic_0001>

<sc_bundles>
// kernel: kernel.5.cloned.1.call-start
scs
__scs_entry_jumppad:
0x0: {  	(pc) =	sbr.rel $0x88, $3  }
0x1: {  	(tag) =	ssettag $0x0;
	lr =	simm.s32 $0x1  }
0x2: {  	[smem:$0x3F95] =	sst lr;
	_ =	strace $0xD0000000  }
0x3: {  	_ = 	snop  }
0x4: {  	_ = 	snop  }
0x5: {  	_ = 	snop  }
0x6: {  	_ = 	snop  }
0x7: {  	_ = 	snop  }
__scs_overlays_trampoline_lowered:
0x8: {  	[smem:$0x3FA4] =	sst s0  }
0x9: {  	[smem:$0x3FA5] =	sst s1  }
0xa: {  	[smem:$0x3FA6] =	sst s2  }
0xb: {  	[smem:$0x3FA7] =	sst s3  }
0xc: {  	[smem:$0x3FA8] =	sst s4  }
0xd: {  	[smem:$0x3FA9] =	sst s5  }
0xe: {  	[smem:$0x3FAA] =	sst s6  }
0xf: {  	[smem:$0x3FAB] =	sst s7  }
0x10: {  	[smem:$0x3FAC] =	sst s8  }
0x11: {  	[smem:$0x3FAD] =	sst s9;
	s0 =	simm.s32 @!p0 $0x0  }
0x12: {  	s1 =	sld [smem:$0x3F93];
	s0 =	simm.s32 @p0 $0x1  }
0x13: {  	[smem:$0x3FAE] =	sst s0;
	s0 =	simm.s32 @!p1 $0x0  }
0x14: {  	s2 =	sld [smem:$0x3F92];
	s0 =	simm.s32 @p1 $0x1  }
0x15: {  	[smem:$0x3FAF] =	sst s0;
	s0 =	simm.s32 @!p2 $0x0  }
0x16: {  	s3 =	sld [smem:$0x3FDB];
	s0 =	simm.s32 @p2 $0x1  }
0x17: {  	s4 =	simm.s32 $0x1BF5;
	[smem:$0x3FB1] =	sst s0  }
0x18: {  	s0 =	sld [smem:$0x3F94];
	_ =	swait.ge [sflag:s4], $0x0  }
0x19: {  	s7 =	sld [smem:$0x3F95]  }
0x1a: {  	s8 =	sadd.s32 $0xFFFFE003, lr  }
0x1b: {  	s9 =	sadd.s32 $0xFFFFFEF7, lr;
	s5 =	simm.s32 $0xFFFFFFFF;
	p2 =	slt.u32 s8, $0xFFFFF086  }
0x1c: {  	p1 =	slt.u32 s9, $0xF7A;
	s5 =	simm.s32 @!p2 $0x0  }
0x1d: {  	s5 =	simm.s32 @p1 $0x1;
	p0 =	seq.s32 s7, s2  }
0x1e: {  	s7 =	smul.u32 @!p0 $0xF7A, s2;
	p2 =	seq.s32 @!p0 s5, $0x0  }
0x1f: {  	s9 =	smul.u32 $0xF7A, s1;
	s8 =	simm.s32 @!p0 $0x1BF5;
	p2 =	por !p2, p0  }
0x20: {  	[sflag:s8] =	ssyncset.s32 @!p0 $0xFFFFF086;
	s6 =	sadd.s32 @!p0 s3, s7;
	s7 =	simm.s32 @!p0 $0x108  }
0x21: {  	s3 =	sadd.s32 s3, s9;
	s6 =	sadd.s32 @!p0 $0x88, s6;
	s7 =	simm.s32 @p2 $0x1082  }
0x22: {  	[simem:s7], [sflag:s8] =	dma.local @!p0 [hbm:s6], $0xF7A  }
0x23: {  	s9 =	sor.u32 $0xD0000000, s2;
	s6 =	simm.s32 $0x108;
	_ =	swait.ge @!p0 [sflag:s8], $0x0  }
0x24: {  	s3 =	sadd.s32 $0x88, s3;
	s6 =	simm.s32 @!p1 $0x1082;
	[sflag:s4] =	ssyncset.s32 $0xFFFFF086  }
0x25: {  	[simem:s6], [sflag:s4] =	dma.local [hbm:s3], $0xF7A  }
0x26: {  	[smem:$0x3F95] =	sst s1;
	(tag) =	ssettag s2;
	_ =	strace s9  }
0x27: {  	s1 =	sld [smem:$0x3FA5]  }
0x28: {  	s2 =	sld [smem:$0x3FA6]  }
0x29: {  	s4 =	sld [smem:$0x3FA8]  }
0x2a: {  	p0 =	seq.s32 s5, $0x0;
	s5 =	sld [smem:$0x3FA9]  }
0x2b: {  	s6 =	sld [smem:$0x3FAA]  }
0x2c: {  	s7 =	sld [smem:$0x3FAB]  }
0x2d: {  	s3 =	simm.s32 $0x108;
	s8 =	sld [smem:$0x3FAC]  }
0x2e: {  	s3 =	simm.s32 @!p0 $0x1082;
	s9 =	sld [smem:$0x3FAD]  }
0x2f: {  	lr =	sadd.s32 s0, s3;
	s0 =	sld [smem:$0x3FA4]  }
0x30: {  	s3 =	sld [smem:$0x3FA7]  }
0x31: {  	[smem:$0x3FB0] =	sst s10  }
0x32: {  	s10 =	sld [smem:$0x3FAE];
	_ =	sdelay $0x3  }
0x33: {  	p0 =	seq.s32 s10, $0x1;
	s10 =	sld [smem:$0x3FB0];
	_ =	sdelay $0x3  }
0x34: {  	[smem:$0x3FB0] =	sst s10  }
0x35: {  	s10 =	sld [smem:$0x3FAF];
	_ =	sdelay $0x3  }
0x36: {  	p1 =	seq.s32 s10, $0x1;
	s10 =	sld [smem:$0x3FB0];
	_ =	sdelay $0x3  }
0x37: {  	[smem:$0x3FB0] =	sst s10  }
0x38: {  	s10 =	sld [smem:$0x3FB1]  }
0x39: {  	_ = 	snop;
	(pc) =	sbr.ind lr, $3  }
0x3a: {  	_ = 	snop  }
0x3b: {  	_ = 	snop  }
0x3c: {  	p2 =	seq.s32 s10, $0x1;
	s10 =	sld [smem:$0x3FB0]  }
0x3d: {  	_ =	shalt  }
0x3e: {  	_ =	shalt  }
0x3f: {  	_ =	shalt  }
0x40: {  	_ =	shalt  }
0x41: {  	_ =	shalt  }
0x42: {  	_ =	shalt  }
0x43: {  	_ =	shalt  }
0x44: {  	_ =	shalt  }
0x45: {  	_ =	shalt  }
0x46: {  	_ =	shalt  }
0x47: {  	_ =	shalt  }
0x48: {  	_ =	shalt  }
0x49: {  	_ =	shalt  }
0x4a: {  	_ =	shalt  }
0x4b: {  	_ =	shalt  }
0x4c: {  	_ =	shalt  }
0x4d: {  	_ =	shalt  }
0x4e: {  	_ =	shalt  }
0x4f: {  	_ =	shalt  }
0x50: {  	_ =	shalt  }
0x51: {  	_ =	shalt  }
0x52: {  	_ =	shalt  }
0x53: {  	_ =	shalt  }
0x54: {  	_ =	shalt  }
0x55: {  	_ =	shalt  }
0x56: {  	_ =	shalt  }
0x57: {  	_ =	shalt  }
0x58: {  	_ =	shalt  }
0x59: {  	_ =	shalt  }
0x5a: {  	_ =	shalt  }
0x5b: {  	_ =	shalt  }
0x5c: {  	_ =	shalt  }
0x5d: {  	_ =	shalt  }
0x5e: {  	_ =	shalt  }
0x5f: {  	_ =	shalt  }
0x60: {  	_ =	shalt  }
0x61: {  	_ =	shalt  }
0x62: {  	_ =	shalt  }
0x63: {  	_ =	shalt  }
0x64: {  	_ =	shalt  }
0x65: {  	_ =	shalt  }
0x66: {  	_ =	shalt  }
0x67: {  	_ =	shalt  }
0x68: {  	_ =	shalt  }
0x69: {  	_ =	shalt  }
0x6a: {  	_ =	shalt  }
0x6b: {  	_ =	shalt  }
0x6c: {  	_ =	shalt  }
0x6d: {  	_ =	shalt  }
0x6e: {  	_ =	shalt  }
0x6f: {  	_ =	shalt  }
0x70: {  	_ =	shalt  }
0x71: {  	_ =	shalt  }
0x72: {  	_ =	shalt  }
0x73: {  	_ =	shalt  }
0x74: {  	_ =	shalt  }
0x75: {  	_ =	shalt  }
0x76: {  	_ =	shalt  }
0x77: {  	_ =	shalt  }
0x78: {  	_ =	shalt  }
0x79: {  	_ =	shalt  }
0x7a: {  	_ =	shalt  }
0x7b: {  	_ =	shalt  }
0x7c: {  	_ =	shalt  }
0x7d: {  	_ =	shalt  }
0x7e: {  	_ =	shalt  }
0x7f: {  	_ =	shalt  }
0x80: {  	_ =	shalt  }
0x81: {  	_ =	shalt  }
0x82: {  	_ =	shalt  }
0x83: {  	_ =	shalt  }
0x84: {  	_ =	shalt  }
0x85: {  	_ =	shalt  }
0x86: {  	_ =	shalt  }
0x87: {  	_ =	shalt  }
.Lfunc_end0:
.L_simem_size_0:
called_computation_lowered:
.L_overlay_start_0:
0x88: {  	s0 =	sld [smem:$0x3FD9]  }
0x89: {  	s1 =	sld [smem:$0x3FFE];
	_ =	sdelay $0x3  }
0x8a: {  	s0 =	sadd.s32 s1, s0  }
0x8b: {  	[smem:$0x3FBC] =	sst s0  }
0x8c: {  	_ = 	snop  }
0x8d: {  	s0 =	sld [smem:$0x3FC5]  }
0x8e: {  	s14 =	sld [smem:$0x3FD0]  }
0x8f: {  	s2 =	sld [smem:$0x3FC4]  }
0x90: {  	s3 =	sld [smem:$0x3FC3]  }
0x91: {  	s5 =	simm.s32 $0xA;
	s6 =	simm.s32 $0x10;
	s4 =	sld [smem:$0x3FC2]  }
0x92: {  	[smem:s6], [sflag:s5] =	dma.local [hbm:s14], $0x1  }
0x93: {  	_ =	swait.eq [sflag:s5], $0x1  }
0x94: {  	[sflag:s5] =	ssyncset.done $0x0  }
0x95: {  	[sflag:s5] =	ssyncadd.s32 $0xFFFFFFFF  }
0x96: {  	s15 =	sld [smem:$0x11];
	(tm) =	ssettm $0x1  }
0x97: {  	s16 =	sld [smem:$0x3FFB];
	_ =	sdelay $0x3  }
0x98: {  	_ =	strace s16  }
0x99: {  	s5 =	sld [smem:$0x3FFC];
	_ =	sdelay $0x3  }
0x9a: {  	_ =	strace s5  }
0x9b: {  	s5 =	sld [smem:$0x3FFD];
	_ =	sdelay $0x3  }
0x9c: {  	_ =	strace s5  }
0x9d: {  	_ =	strace $0x8FFFFFFF  }
0x9e: {  	s17 =	sld [smem:$0x3FDB];
	_ =	sdelay $0x1  }
0x9f: {  	s18 =	simm.s32 $_scs_section_size  }
0xa0: {  	s7 =	simm.s32 $_size__tile_overlayer_lowered;
	s8 =	simm.s32 $_tile_overlayer_lowered  }
0xa1: {  	s21 =	simm.s32 $0x1BFF;
	s20 =	sshll.u32 s8, $0x1;
	s5 =	sadd.s32 s18, s17  }
0xa2: {  	s9 =	simm.s32 $0x0;
	s19 =	sshll.u32 s7, $0x1;
	s7 =	sadd.s32 s20, s5  }
0xa3: {  	[timem:s9], [sflag:s21] =	dma.local [hbm:s7], s19  }
0xa4: {  	_ =	swait.ge [sflag:s21], s19  }
0xa5: {  	s6 =	ssub.s32 $0x0, s19;
	[sflag:s21] =	ssyncset.done $0x0  }
0xa6: {  	[sflag:s21] =	ssyncadd.s32 s6;
	_ =	sdelay $0x1  }
0xa7: {  	s22 =	simm.s32 $0x1B8B  }
0xa8: {  	_ =	swait.ge [sflag:s22], $0x1  }
0xa9: {  	[sflag:s22] =	ssyncset.done $0x0  }
0xaa: {  	s23 =	simm.s32 $0x1B8E;
	[sflag:s22] =	ssyncadd.s32 $0xFFFFFFFF  }
0xab: {  	s24 =	simm.s32 $execute0_lowered;
	[smem:$0x3FD2] =	sst s23  }
0xac: {  	s6 =	sshll.u32 s24, $0x1;
	_ =	strace $0x80000046;
	[dreg:$0x1] =	wrdreg $0xFFFFFFFF  }
0xad: {  	s25 =	simm.s32 $_size_execute0_lowered;
	s5 =	sadd.s32 s5, s6;
	[dreg:$0x0] =	wrdreg $0x0  }
0xae: {  	s6 =	sshll.u32 s25, $0x1;
	[dreg:$0x2] =	wrdreg s5  }
0xaf: {  	[dreg:$0x3] =	wrdreg s6  }
0xb0: {  	[dreg:$0x4] =	wrdreg $0xC0  }
0xb1: {  	_ =	task [dreg:s9], $0x5FFFF  }
0xb2: {  	[dreg:$0x1] =	wrdreg $0xFFFFFFFF  }
0xb3: {  	[dreg:$0x0] =	wrdreg $0x60  }
0xb4: {  	[dreg:$0x2] =	wrdreg s4  }
0xb5: {  	[dreg:$0x3] =	wrdreg s3  }
0xb6: {  	[dreg:$0x4] =	wrdreg s0  }
0xb7: {  	[dreg:$0x5] =	wrdreg s2  }
0xb8: {  	[dreg:$0x6] =	wrdreg s15  }
0xb9: {  	[dreg:$0x7] =	wrdreg $0x9  }
0xba: {  	_ =	task.clear_ibuf [dreg:s9], $0x8FFFF;
	_ =	strace $0x90000046  }
0xbb: {  	s26 =	simm.s32 $0x9;
	_ =	strace $0x80000048  }
0xbc: {  	_ =	swait.ge [sflag:s26], $0x1  }
0xbd: {  	[sflag:s26] =	ssyncadd.s32 $0xFFFFFFFF  }
0xbe: {  	_ =	strace $0x90000048  }
0xbf: {  	_ =	sfence  }
0xc0: {  	s28 =	sld [smem:$0x0];
	_ =	sdelay $0x1  }
0xc1: {  	s29 =	srdreg.scid  }
0xc2: {  	s30 =	sshll.u32 s29, $0xD;
	s31 =	sshrl.u32 s29, $0x2  }
0xc3: {  	s1 =	sand.u32 $0x1, s29;
	s2 =	sand.u32 $0x4000, s30;
	s0 =	sadd.s32 s31, s28  }
0xc4: {  	s1 =	sor.u32 s2, s1;
	s0 =	sshll.u32 s0, $0x11  }
0xc5: {  	s0 =	sor.u32 s0, s1  }
0xc6: {  	s0 =	sadd.s32 $0x8F2B, s0  }
0xc7: {  	[sflag:s0] =	ssyncadd.remote.s32 $0x1  }
0xc8: {  	_ =	sfence.sel $0xFFFF  }
0xc9: {  	[dreg:$0x0] =	wrdreg $0xFFFFFFFF;
	(pc) =	sbr.abs _section_cstart, $3  }
0xca: {  	[dreg:$0x1] =	wrdreg $0xFFFFFFFF  }
0xcb: {  	_ =	task.clear_ibuf [dreg:s9], $0x2FFFF;
	_ =	strace $0x9FFFFFFF  }
0xcc: {  	(tm) =	ssettm $0x7FFFFFFF  }
0xcd: {  	_ =	shalt  }
tec
execute0_lowered:
.L_overlay_start_1:
0x0: {  	(tag) =	ssettag $0x1  }
0x1: {  	s3 =	rddreg [dreg:$0x0]  }
0x2: {  	s6 =	rddreg [dreg:$0x1]  }
0x3: {  	s5 =	rddreg [dreg:$0x2]  }
0x4: {  	s9 =	rddreg [dreg:$0x3]  }
0x5: {  	s4 =	rddreg [dreg:$0x4];
	s2 =	simm.s32 $0x0  }
0x6: {  	[smem:$0x7FF] =	sst s2  }
0x7: {  	s0 =	rddreg [dreg:$0x5];
	_ =	strace $0x80000047  }
0x8: {  	[tilespmem:s2], [sflag:$0x3] =	stream.linear.gather [hbm4b:s3+s2], $0x1, $0x38;
	[tilespmem:$0x1980] =	vst v63  }
0x9: {  	s1 =	stileid.u32;
	s3 =	simm.s32 $0x3  }
0xa: {  	s8 =	sand.u32 $0x7, s1;
	_ =	swait.ge [sflag:s3], $0x1  }
0xb: {  	s7 =	simm.s32 $0x80;
	s10 =	sshll.u32 s8, $0x4;
	[sflag:s3] =	ssyncset.done $0x0  }
0xc: {  	s11 =	sadd.s32 s6, s10;
	s6 =	simm.s32 $0x400;
	[sflag:s3] =	ssyncadd.s32 $0xFFFFFFFF  }
0xd: {  	[tilespmem:s7], [sflag:$0x1] =	stream.strided.gather [hbm4b:s11+s7], $0x800, s6, s7, $0x38;
	[tilespmem:$0x1980] =	vst v63  }
0xe: {  	s24 =	simm.s32 $0x1080;
	s9 =	sadd.s32 s9, s10  }
0xf: {  	[tilespmem:s24], [sflag:$0x2] =	stream.strided.gather [hbm4b:s9+s7], $0x800, s6, s7, $0x38;
	[tilespmem:$0x1980] =	vst v63  }
0x10: {  	v0 =	vld [tilespmem:$0x0];
	_ =	sdelay $0x2  }
0x11: {  	s9 =	simm.s32 $0x1  }
0x12: {  	_ =	swait.ge [sflag:s9], $0x800  }
0x13: {  	(v2sf) =	vpush v0, $0x0;
	_ =	sdelay $0xe  }
0x14: {  	[sflag:s9] =	ssyncset.done $0x0;
	s25 =	spop (v2sf)  }
0x15: {  	[sflag:s9] =	ssyncadd.s32 $0xFFFFF800;
	s26 =	sand.u32 $0xFFFFFFF0, s25  }
0x16: {  	v1 =	vld [tilespmem:s26+$0x80];
	_ =	sdelay $0x1  }
0x17: {  	s10 =	sand.u32 $0xF, s25  }
0x18: {  	v3 =	vlaneseq.u32;
	v2 =	vmov s10  }
0x19: {  	vm0 =	veq.s32 v2, v3  }
0x1a: {  	v1 =	vnsel vm0, $0x0, v1  }
0x1b: {  	(v2sf) =	vpush v1, $0x0  }
0x1c: {  	(v2sf) =	vpush v1, $0x1  }
0x1d: {  	(v2sf) =	vpush v1, $0x2  }
0x1e: {  	(v2sf) =	vpush v1, $0x3  }
0x1f: {  	(v2sf) =	vpush v1, $0x4  }
0x20: {  	(v2sf) =	vpush v1, $0x5  }
0x21: {  	(v2sf) =	vpush v1, $0x6  }
0x22: {  	(v2sf) =	vpush v1, $0x7  }
0x23: {  	(v2sf) =	vpush v1, $0x8  }
0x24: {  	(v2sf) =	vpush v1, $0x9  }
0x25: {  	(v2sf) =	vpush v1, $0xA  }
0x26: {  	(v2sf) =	vpush v1, $0xB  }
0x27: {  	(v2sf) =	vpush v1, $0xC  }
0x28: {  	(v2sf) =	vpush v1, $0xD  }
0x29: {  	(v2sf) =	vpush v1, $0xE  }
0x2a: {  	s28 =	spop (v2sf);
	(v2sf) =	vpush v1, $0xF  }
0x2b: {  	s29 =	spop (v2sf)  }
0x2c: {  	s12 =	spop (v2sf);
	s10 =	sadd.s32 s29, s28  }
0x2d: {  	s30 =	spop (v2sf);
	s10 =	sadd.s32 s12, s10  }
0x2e: {  	s31 =	spop (v2sf);
	s10 =	sadd.s32 s30, s10  }
0x2f: {  	s13 =	spop (v2sf);
	s10 =	sadd.s32 s31, s10  }
0x30: {  	s14 =	spop (v2sf);
	s10 =	sadd.s32 s13, s10  }
0x31: {  	s15 =	spop (v2sf);
	s10 =	sadd.s32 s14, s10  }
0x32: {  	s16 =	spop (v2sf);
	s10 =	sadd.s32 s15, s10  }
0x33: {  	s17 =	spop (v2sf);
	s10 =	sadd.s32 s16, s10  }
0x34: {  	s18 =	spop (v2sf);
	s10 =	sadd.s32 s17, s10  }
0x35: {  	s19 =	spop (v2sf);
	s10 =	sadd.s32 s18, s10  }
0x36: {  	s20 =	spop (v2sf);
	s10 =	sadd.s32 s19, s10  }
0x37: {  	s21 =	spop (v2sf);
	s10 =	sadd.s32 s20, s10  }
0x38: {  	s22 =	spop (v2sf);
	s10 =	sadd.s32 s21, s10  }
0x39: {  	s10 =	sadd.s32 s22, s10;
	s23 =	spop (v2sf)  }
0x3a: {  	s10 =	sadd.s32 s23, s10  }
0x3b: {  	s11 =	sshll.u32 s10, $0xB  }
0x3c: {  	s8 =	sshll.u32 s8, $0x16;
	s10 =	sshll.u32 s10, $0x7;
	s11 =	sand.u32 $0xFFFFC000, s11  }
0x3d: {  	s10 =	sand.u32 $0x380, s10;
	s8 =	sadd.s32 s8, s11  }
0x3e: {  	s8 =	sor.u32 s10, s8  }
0x3f: {  	s8 =	sshrl.u32 s8, $0x3  }
0x40: {  	s24 =	simm.s32 $0x880;
	s5 =	sadd.s32 s5, s8  }
0x41: {  	[tilespmem:s24], [sflag:$0x1] =	stream.strided.gather [hbm4b:s5+s7], $0x800, s6, s7, $0x38;
	[tilespmem:$0x1980] =	vst v63  }
0x42: {  	_ =	swait.ge [sflag:s9], $0x800  }
0x43: {  	s25 =	sshll.u32 s1, $0x3;
	[sflag:s9] =	ssyncset.done $0x0  }
0x44: {  	s26 =	sand.u32 $0x40, s25;
	s28 =	simm.s32 $0x2;
	[sflag:s9] =	ssyncadd.s32 $0xFFFFF800  }
0x45: {  	s29 =	sshll.u32 s1, $0x7;
	s5 =	sor.u32 $0x3F, s25;
	_ =	swait.ge [sflag:s28], $0x800  }
0x46: {  	s30 =	sand.u32 $0x400, s29;
	s5 =	ssub.s32 s5, s26;
	[sflag:s28] =	ssyncset.done $0x0  }
0x47: {  	s8 =	sor.u32 $0x880, s30;
	s31 =	sadd.s32 $0x1, s5;
	[sflag:s28] =	ssyncadd.s32 $0xFFFFF800  }
0x48: {  	s5 =	sor.u32 $0x1080, s30;
	p0 =	sne.s32 s31, $0x1;
	v2 =	vld [tilespmem:s8+$0x0]  }
.Ltmp0:
0x49: {  	v5 =	vld [tilespmem:s5+$0x0];
	(pc) =	sbr.rel @!p0 .LBB2_2-.Ltmp0, $3  }
0x4a: {  	_ =	sdelay $0x1  }
0x4b: {  	v0 =	vbroadcast v0, $0x0  }
0x4c: {  	v4 =	vimm.f32 $0.0e+00;
	v3 =	vimm.f32 $0.0e+00;
	v1 =	vimm.f32 $0.0e+00;
	s7 =	sadd.s32 $0x10, s8;
	s6 =	sadd.s32 $0xFFFFFFFF, s31  }
.LBB2_1:
0x4d: {  	v6 =	vcvt.s32.f32 v2;
	v2 =	vld [tilespmem:s7+$0x0];
	vm0 =	vlt.s32 v5, v0;
	s5 =	sadd.s32 $0x10, s5;
	p0 =	sne.s32 s6, $0x1  }
.Ltmp1:
0x4e: {  	s6 =	sadd.s32 $0xFFFFFFFF, s6;
	v5 =	vld [tilespmem:s5+$0x0];
	v7 =	vsel vm0, $0x3F800000, v1;
	(pc) =	sbr.rel @p0 .LBB2_1-.Ltmp1, $3  }
0x4f: {  	v3 =	vadd.f32 v6, v3;
	v6 =	vmul.f32 v6, v7;
	_ =	sdelay $0x1  }
0x50: {  	v4 =	vadd.f32 v6, v4  }
0x51: {  	s7 =	sadd.s32 $0x10, s7  }
.LBB2_2:
0x52: {  	v2 =	vcvt.s32.f32 v2;
	vm0 =	vlt.s32 v5, v0  }
0x53: {  	v0 =	vsel vm0, $0x3F800000, v1  }
0x54: {  	v0 =	vmul.f32 v2, v0  }
0x55: {  	v63 =	vadd.f32 v2, v3  }
0x56: {  	v0 =	vadd.f32 v0, v4  }
0x57: {  	s5 =	sshll.u32 s1, $0x4;
	[tilespmem:$0x1880] =	vst v63  }
0x58: {  	s30 =	simm.s32 $0x1880;
	s4 =	sadd.s32 s4, s5;
	[tilespmem:$0x1900] =	vst v0  }
0x59: {  	[hbm4b:s4+s2] =	stream.linear.scatter [tilespmem:s30], [sflag:$0x3], $0x10, $0x38;
	[tilespmem:$0x1980] =	vst v63  }
0x5a: {  	_ =	swait.ge [sflag:s3], $0x10  }
0x5b: {  	[sflag:s3] =	ssyncset.done $0x0  }
0x5c: {  	s31 =	simm.s32 $0x1900;
	s4 =	sadd.s32 $0x2, s4;
	[sflag:s3] =	ssyncadd.s32 $0xFFFFFFF0  }
0x5d: {  	[hbm4b:s4+s2] =	stream.linear.scatter [tilespmem:s31], [sflag:$0x3], $0x10, $0x38;
	[tilespmem:$0x1980] =	vst v63  }
0x5e: {  	_ =	swait.ge [sflag:s3], $0x10  }
0x5f: {  	[sflag:s3] =	ssyncset.done $0x0  }
0x60: {  	[sflag:s3] =	ssyncadd.s32 $0xFFFFFFF0  }
0x61: {  	_ =	sfence.sel $0x180000  }
0x62: {  	[bflag:$0x0] =	sbarrier.arrive $0xFFFF  }
0x63: {  	p0 =	sne.s32 s1, $0x0;
	_ =	strace $0x90000047  }
0x64: {  	s0 =	sadd.s32 @!p0 $0x100000, s0;
	[bflag:$0x2] =	sbarrier.arrive $0xFFFF  }
0x65: {  	[sflag:s0] =	ssyncadd.tile.s32 @!p0 $0x1;
	_ =	shalt  }
.Lfunc_end2:
_tile_overlayer_lowered:
.L_overlay_start_2:
0x66: {  	(tag) =	ssettag $0x2  }
0x67: {  	s0 =	rddreg [dreg:$0x0];
	s2 =	stileid.u32  }
0x68: {  	s1 =	rddreg [dreg:$0x1];
	p0 =	sne.s32 s2, $0x0  }
0x69: {  	s3 =	rddreg [dreg:$0x2];
	[bflag:$0x3] =	sbarrier.arrive $0xFFFF;
	s2 =	simm.s32 @!p0 $0x1C03  }
0x6a: {  	[timem:s3], [sflag:s2] =	dma.local @!p0 [hbm:s0], s1  }
0x6b: {  	s0 =	simm.s32 @!p0 $0x3  }
0x6c: {  	_ =	swait.ge @!p0 [sflag:s0], s1  }
0x6d: {  	s1 =	ssub.s32 @!p0 $0x0, s1;
	[sflag:s0] =	ssyncset.done @!p0 $0x0  }
0x6e: {  	[sflag:s0] =	ssyncadd.s32 @!p0 s1  }
0x6f: {  	[bflag:$0x3] =	sbarrier.arrive $0xFFFF  }
0x70: {  	_ =	shalt  }

</sc_bundles>
